<compile_context>
chip_gen: v7x
topology: tpu7x:2x2x1
jax: 0.10.2.dev20260603
libtpu: 0.0.44.dev20260713+nightly
codegen_flags: <defaults>
</compile_context>

<pallas_src>
import functools

import jax
import jax.numpy as jnp
from jax import lax
from jax.experimental import pallas as pl
from jax.experimental.pallas import tpu as pltpu
from jax.experimental.pallas import tpu_sc as plsc

_B, _N, _PD, _C = 8, 2048, 3, 64
_K = 16
_EPS = 1e-3
_BN = 256
_BM = 128
_NW = 32
_R = _B * _N * _K
_PW = _R // _NW
_CHUNK = 128


def _knn_body(pq_ref, pall_ref, f_ref, wg_ref, idx_ref, g_ref):
    A = pq_ref[0]
    P = pall_ref[0]
    F = f_ref[0]
    m = lax.dot_general(A, P, (((1,), (1,)), ((), ())),
                        preferred_element_type=jnp.float32)
    rA = jnp.sum(A * A, axis=1, keepdims=True)
    rB = jnp.sum(P * P, axis=1)
    d = rA - 2.0 * m + rB[None, :]
    d = jnp.maximum(d, 0.0)
    n_base = pl.program_id(1) * _BN
    col = lax.broadcasted_iota(jnp.int32, (_BN, _N), 1)
    rowg = n_base + lax.broadcasted_iota(jnp.int32, (_BN, _N), 0)
    d = jnp.where(col == rowg, jnp.inf, d)
    key = (lax.bitcast_convert_type(d, jnp.int32) & jnp.int32(-2048)) | col
    base = pl.program_id(0) * _N
    cols = []
    for _ in range(_K):
        mn = jnp.min(key, axis=1, keepdims=True)
        cols.append((mn & 2047) + base)
        key = jnp.where(key == mn, jnp.int32(0x7FFFFFFF), key)
    idx_ref[0] = jnp.concatenate(cols, axis=1)
    g = jnp.dot(F, wg_ref[...], preferred_element_type=jnp.float32)
    g_ref[0] = jnp.concatenate([g, jnp.zeros((_BN, _C), jnp.float32)], axis=1)


def _gather_body(g_hbm, idx_hbm, out_hbm, idx_v, rows_v, sem):
    wid = lax.axis_index("s") * 2 + lax.axis_index("c")
    base = wid * _PW

    def step(c, carry):
        off = base + c * _CHUNK
        pltpu.sync_copy(idx_hbm.at[pl.ds(off, _CHUNK)], idx_v)
        pltpu.async_copy(g_hbm.at[idx_v], rows_v, sem).wait()
        pltpu.sync_copy(rows_v, out_hbm.at[pl.ds(off, _CHUNK)])
        return carry

    lax.fori_loop(0, _PW // _CHUNK, step, 0)


def _mlp_body(f_ref, kg_ref, wh_ref, t0_ref, w1_ref, t1_ref, w2_ref, t2_ref,
              wsc_ref, tsc_ref, o_ref):
    F = f_ref[0]
    KG = kg_ref[0][:, :_C]
    H = jnp.dot(F, wh_ref[...], preferred_element_type=jnp.float32) + t0_ref[...]
    S = jnp.dot(F, wsc_ref[...], preferred_element_type=jnp.float32) + tsc_ref[...]
    x0 = KG.reshape(_BM, _K, _C) + H[:, None, :]
    x0 = jnp.maximum(x0, 0.0).reshape(_BM * _K, _C)
    h1 = jnp.maximum(
        jnp.dot(x0, w1_ref[...], preferred_element_type=jnp.float32) + t1_ref[...], 0.0)
    h2 = jnp.maximum(
        jnp.dot(h1, w2_ref[...], preferred_element_type=jnp.float32) + t2_ref[...], 0.0)
    fts = jnp.mean(h2.reshape(_BM, _K, _C), axis=1)
    o_ref[0] = jnp.maximum(S + fts, 0.0)


def _knn_call(pts8, features, Wg):
    return pl.pallas_call(
        _knn_body,
        grid=(_B, _N // _BN),
        in_specs=[
            pl.BlockSpec((1, _BN, 8), lambda b, i: (b, i, 0)),
            pl.BlockSpec((1, _N, 8), lambda b, i: (b, 0, 0)),
            pl.BlockSpec((1, _BN, _C), lambda b, i: (b, i, 0)),
            pl.BlockSpec((_C, _C), lambda b, i: (0, 0)),
        ],
        out_specs=[
            pl.BlockSpec((1, _BN, _K), lambda b, i: (b, i, 0)),
            pl.BlockSpec((1, _BN, 2 * _C), lambda b, i: (b, i, 0)),
        ],
        out_shape=[
            jax.ShapeDtypeStruct((_B, _N, _K), jnp.int32),
            jax.ShapeDtypeStruct((_B, _N, 2 * _C), jnp.float32),
        ],
    )(pts8, pts8, features, Wg)


def _gather_call():
    mesh = plsc.VectorSubcoreMesh(core_axis_name="c", subcore_axis_name="s")
    return pl.kernel(
        _gather_body,
        mesh=mesh,
        out_type=jax.ShapeDtypeStruct((_R, 2 * _C), jnp.float32),
        scratch_types=[
            pltpu.VMEM((_CHUNK,), jnp.int32),
            pltpu.VMEM((_CHUNK, 2 * _C), jnp.float32),
            pltpu.SemaphoreType.DMA,
        ],
    )


def _mlp_call(features, KG, Wh, t0, W1s, t1, W2s, t2, Wscs, tsc):
    wspec = pl.BlockSpec((_C, _C), lambda b, i: (0, 0))
    bspec = pl.BlockSpec((1, _C), lambda b, i: (0, 0))
    return pl.pallas_call(
        _mlp_body,
        grid=(_B, _N // _BM),
        in_specs=[
            pl.BlockSpec((1, _BM, _C), lambda b, i: (b, i, 0)),
            pl.BlockSpec((1, _BM * _K, 2 * _C), lambda b, i: (b, i, 0)),
            wspec, bspec, wspec, bspec, wspec, bspec, wspec, bspec,
        ],
        out_specs=pl.BlockSpec((1, _BM, _C), lambda b, i: (b, i, 0)),
        out_shape=jax.ShapeDtypeStruct((_B, _N, _C), jnp.float32),
    )(features, KG, Wh, t0, W1s, t1, W2s, t2, Wscs, tsc)


def kernel(points, features, W0, g0, b0, m0, v0, W1, g1, b1, m1, v1,
           W2, g2, b2, m2, v2, Wsc, gsc, bsc, msc, vsc):
    s0 = g0 / jnp.sqrt(v0 + _EPS)
    s1 = g1 / jnp.sqrt(v1 + _EPS)
    s2 = g2 / jnp.sqrt(v2 + _EPS)
    ssc = gsc / jnp.sqrt(vsc + _EPS)
    Wg = W0[_C:] * s0[None, :]
    Wh = (W0[:_C] - W0[_C:]) * s0[None, :]
    t0 = (b0 - m0 * s0).reshape(1, _C)
    W1s = W1 * s1[None, :]
    t1 = (b1 - m1 * s1).reshape(1, _C)
    W2s = W2 * s2[None, :]
    t2 = (b2 - m2 * s2).reshape(1, _C)
    Wscs = Wsc * ssc[None, :]
    tsc = (bsc - msc * ssc).reshape(1, _C)

    pts8 = jnp.pad(points, ((0, 0), (0, 0), (0, 8 - _PD)))
    idx, G = _knn_call(pts8, features, Wg)
    KG = _gather_call()(G.reshape(_B * _N, 2 * _C), idx.reshape(_R))
    out = _mlp_call(features, KG.reshape(_B, _N * _K, 2 * _C),
                    Wh, t0, W1s, t1, W2s, t2, Wscs, tsc)
    return out

# --- scband reference (transcript-rebuilt; emitter-appended) ---
"""Pipeline reference for scband-edge-conv-80874234184112 (READ-ONLY COPY).

The authoritative reference and input builder live on the scoring server;
editing this copy changes nothing except your own understanding.
"""

import jax, jax.numpy as jnp
import numpy as np

B, N, PD, C = 8, 2048, 3, 64
K = 16
CH = [64, 64, 64]
EPS = 1e-3  # keras BatchNormalization default epsilon


def _glorot(key, fan_in, fan_out):
    std = np.sqrt(2.0 / (fan_in + fan_out))
    return jax.random.normal(key, (fan_in, fan_out), dtype=jnp.float32) * std


def setup_inputs(seed: int = 0) -> dict:
    key = jax.random.key(seed)
    ks = jax.random.split(key, 8)
    points = jax.random.normal(ks[0], (B, N, PD), dtype=jnp.float32)
    features = jax.random.normal(ks[1], (B, N, C), dtype=jnp.float32)
    # Conv2D 1x1 kernels (use_bias=False since with_bn=True) -> plain matmul weights
    W0 = _glorot(ks[2], 2 * C, CH[0])
    W1 = _glorot(ks[3], CH[0], CH[1])
    W2 = _glorot(ks[4], CH[1], CH[2])
    Wsc = _glorot(ks[5], C, CH[2])
    def bn_params(ch):
        return (jnp.ones((ch,), jnp.float32), jnp.zeros((ch,), jnp.float32),
                jnp.zeros((ch,), jnp.float32), jnp.ones((ch,), jnp.float32))
    g0, b0, m0, v0 = bn_params(CH[0])
    g1, b1, m1, v1 = bn_params(CH[1])
    g2, b2, m2, v2 = bn_params(CH[2])
    gsc, bsc, msc, vsc = bn_params(CH[2])
    return {
        'points': points, 'features': features,
        'W0': W0, 'g0': g0, 'b0': b0, 'm0': m0, 'v0': v0,
        'W1': W1, 'g1': g1, 'b1': b1, 'm1': m1, 'v1': v1,
        'W2': W2, 'g2': g2, 'b2': b2, 'm2': m2, 'v2': v2,
        'Wsc': Wsc, 'gsc': gsc, 'bsc': bsc, 'msc': msc, 'vsc': vsc,
    }


def _batch_distance_matrix(A, Bm):
    r_A = jnp.sum(A * A, axis=2, keepdims=True)
    r_B = jnp.sum(Bm * Bm, axis=2, keepdims=True)
    m = jnp.einsum('bnd,bmd->bnm', A, Bm)
    return r_A - 2.0 * m + jnp.transpose(r_B, (0, 2, 1))


def _bn(x, g, b, m, v):
    return (x - m) / jnp.sqrt(v + EPS) * g + b


def reference(points, features, W0, g0, b0, m0, v0, W1, g1, b1, m1, v1,
              W2, g2, b2, m2, v2, Wsc, gsc, bsc, msc, vsc):
    d = _batch_distance_matrix(points, points)
    k = K if N > K else N - 1
    _, indices = jax.lax.top_k(-d, k + 1)  # [B, N, k+1]
    indices = indices[:, :, 1:]            # drop self
    # knn gather: features[b, indices[b, n, j], :]
    knn_fts = jax.vmap(lambda f, idx: f[idx])(features, indices)  # [B, N, k, C]
    knn_fts_center = jnp.tile(features[:, :, None, :], (1, 1, k, 1))
    x = jnp.concatenate([knn_fts_center, knn_fts - knn_fts_center], axis=-1)  # [B,N,k,2C]
    # 1x1 conv stack: matmul over channel dim + BN(inference) + relu
    x = jax.nn.relu(_bn(jnp.einsum('bnkc,cd->bnkd', x, W0), g0, b0, m0, v0))
    x = jax.nn.relu(_bn(jnp.einsum('bnkc,cd->bnkd', x, W1), g1, b1, m1, v1))
    x = jax.nn.relu(_bn(jnp.einsum('bnkc,cd->bnkd', x, W2), g2, b2, m2, v2))
    fts = jnp.mean(x, axis=2)  # pooling='mean' -> [B, N, CH[-1]]
    sc = jnp.einsum('bnc,cd->bnd', features, Wsc)
    sc = _bn(sc, gsc, bsc, msc, vsc)
    return jax.nn.relu(sc + fts)

if __name__ == "__main__":
    import jax
    _d = setup_inputs()
    print(jax.jit(kernel)(*tuple(_d.values())))

</pallas_src>

<mosaic_0001>
#map = affine_map<(d0, d1) -> (0, 0)>
#map1 = affine_map<(d0, d1) -> (0)>
module attributes {stable_mosaic.version = 14 : i64} {
  func.func @_gather_body(%arg0: i32, %arg1: i32, %arg2: memref<16384x128xf32, #tpu.memory_space<hbm>>, %arg3: memref<262144xi32, #tpu.memory_space<hbm>>, %arg4: memref<262144x128xf32, #tpu.memory_space<hbm>>, %arg5: memref<128xi32, #tpu.memory_space<vmem>>, %arg6: memref<128x128xf32, #tpu.memory_space<vmem>>, %arg7: memref<!tpu.dma_semaphore, #tpu.memory_space<semaphore_mem>>) attributes {dimension_semantics = [#tpu.dimension_semantics<core_parallel>, #tpu.dimension_semantics<subcore_parallel>], iteration_bounds = array<i64: 2, 16>, scalar_prefetch = 0 : i64, scratch_operands = 3 : i64, tpu.core_type = #tpu.core_type<sc_vector_subcore>, window_params = [{transform_indices = #map}, {transform_indices = #map1}, {transform_indices = #map}]} {
    %mul3A = arith.constant 2 : i32
    %mul3A_0 = arith.muli %arg1, %mul3A : i32
    %add3A = arith.addi %mul3A_0, %arg0 : i32
    %mul3A_1 = arith.constant 8192 : i32
    %mul3A_2 = arith.muli %add3A, %mul3A_1 : i32
    %scan3A = arith.constant 0 : i32
    %scan3A_3 = arith.constant 0 : i32
    %scan3A_4 = arith.constant 64 : i32
    %scan3A_5 = arith.addi %scan3A_3, %scan3A_4 : i32
    %scan3A_6 = arith.constant 1 : i32
    scf.for %scan3A_8 = %scan3A_3 to %scan3A_5 step %scan3A_6  : i32 {
      %mul3A_9 = arith.constant 128 : i32
      %mul3A_10 = arith.muli %scan3A_8, %mul3A_9 : i32
      %add3A_11 = arith.addi %mul3A_2, %mul3A_10 : i32
      "tpu.region"() ({
        %run_scoped3A = tpu.sem_alloc : memref<!tpu.dma_semaphore, #tpu.memory_space<semaphore_mem>>
        %dma_start3A_16 = tpu.memref_slice %arg3[%add3A_11] : memref<262144xi32, #tpu.memory_space<hbm>> -> memref<128xi32, #tpu.memory_space<hbm>>
        %dma_start3A_17 = tpu.memref_slice %arg3[%add3A_11] : memref<262144xi32, #tpu.memory_space<hbm>> -> memref<128xi32, #tpu.memory_space<hbm>>
        tpu.enqueue_dma source(%dma_start3A_17 : memref<128xi32, #tpu.memory_space<hbm>>) target(%arg5 : memref<128xi32, #tpu.memory_space<vmem>>) target_semaphore(%run_scoped3A : memref<!tpu.dma_semaphore, #tpu.memory_space<semaphore_mem>>)
        %dma_wait3A_18 = tpu.memref_slice %arg3[%add3A_11] : memref<262144xi32, #tpu.memory_space<hbm>> -> memref<128xi32, #tpu.memory_space<hbm>>
        %dma_wait3A_19 = tpu.memref_slice %arg3[%add3A_11] : memref<262144xi32, #tpu.memory_space<hbm>> -> memref<128xi32, #tpu.memory_space<hbm>>
        tpu.wait_dma2 semaphore(%run_scoped3A : memref<!tpu.dma_semaphore, #tpu.memory_space<semaphore_mem>>) src(%dma_wait3A_19 : memref<128xi32, #tpu.memory_space<hbm>>) dst(%arg5 : memref<128xi32, #tpu.memory_space<vmem>>)
        tpu.yield
      }) : () -> ()
      %dma_start3A = arith.constant 0 : i32
      %dma_start3A_12 = arith.constant 0 : i32
      %dma_start3A_13 = tpu.memref_slice %arg2[%dma_start3A, %dma_start3A_12] : memref<16384x128xf32, #tpu.memory_space<hbm>> -> memref<16384x128xf32, #tpu.memory_space<hbm>>
      tpu.enqueue_indirect_dma source(%dma_start3A_13 : memref<16384x128xf32, #tpu.memory_space<hbm>>) target(%arg6 : memref<128x128xf32, #tpu.memory_space<vmem>>) offsets(%arg5 : memref<128xi32, #tpu.memory_space<vmem>>) semaphore(%arg7 : memref<!tpu.dma_semaphore, #tpu.memory_space<semaphore_mem>>)
      %dma_wait3A = arith.constant 0 : i32
      %dma_wait3A_14 = arith.constant 0 : i32
      %dma_wait3A_15 = tpu.memref_slice %arg2[%dma_wait3A, %dma_wait3A_14] : memref<16384x128xf32, #tpu.memory_space<hbm>> -> memref<16384x128xf32, #tpu.memory_space<hbm>>
      tpu.wait_indirect_dma semaphore(%arg7 : memref<!tpu.dma_semaphore, #tpu.memory_space<semaphore_mem>>) src(%dma_wait3A_15 : memref<16384x128xf32, #tpu.memory_space<hbm>>) dst(%arg6 : memref<128x128xf32, #tpu.memory_space<vmem>>)
      "tpu.region"() ({
        %run_scoped3A = tpu.sem_alloc : memref<!tpu.dma_semaphore, #tpu.memory_space<semaphore_mem>>
        %dma_start3A_16 = arith.constant 0 : i32
        %dma_start3A_17 = tpu.memref_slice %arg4[%add3A_11, %dma_start3A_16] : memref<262144x128xf32, #tpu.memory_space<hbm>> -> memref<128x128xf32, #tpu.memory_space<hbm>>
        %dma_start3A_18 = arith.constant 0 : i32
        %dma_start3A_19 = tpu.memref_slice %arg4[%add3A_11, %dma_start3A_18] : memref<262144x128xf32, #tpu.memory_space<hbm>> -> memref<128x128xf32, #tpu.memory_space<hbm>>
        tpu.enqueue_dma source(%arg6 : memref<128x128xf32, #tpu.memory_space<vmem>>) target(%dma_start3A_19 : memref<128x128xf32, #tpu.memory_space<hbm>>) target_semaphore(%run_scoped3A : memref<!tpu.dma_semaphore, #tpu.memory_space<semaphore_mem>>)
        %dma_wait3A_20 = arith.constant 0 : i32
        %dma_wait3A_21 = tpu.memref_slice %arg4[%add3A_11, %dma_wait3A_20] : memref<262144x128xf32, #tpu.memory_space<hbm>> -> memref<128x128xf32, #tpu.memory_space<hbm>>
        %dma_wait3A_22 = arith.constant 0 : i32
        %dma_wait3A_23 = tpu.memref_slice %arg4[%add3A_11, %dma_wait3A_22] : memref<262144x128xf32, #tpu.memory_space<hbm>> -> memref<128x128xf32, #tpu.memory_space<hbm>>
        tpu.wait_dma2 semaphore(%run_scoped3A : memref<!tpu.dma_semaphore, #tpu.memory_space<semaphore_mem>>) src(%arg6 : memref<128x128xf32, #tpu.memory_space<vmem>>) dst(%dma_wait3A_23 : memref<128x128xf32, #tpu.memory_space<hbm>>)
        tpu.yield
      }) : () -> ()
    }
    %scan3A_7 = arith.constant 64 : i32
    return
  }
}

module attributes {stable_mosaic.version = 14 : i64} {
  func.func @_knn_body(%arg0: i32, %arg1: i32, %arg2: memref<1x256x8xf32, #tpu.memory_space<vmem>>, %arg3: memref<1x2048x8xf32, #tpu.memory_space<vmem>>, %arg4: memref<1x256x64xf32, #tpu.memory_space<vmem>>, %arg5: memref<64x64xf32, #tpu.memory_space<vmem>>, %arg6: memref<1x256x16xi32, #tpu.memory_space<vmem>>, %arg7: memref<1x256x128xf32, #tpu.memory_space<vmem>>) attributes {dimension_semantics = [#tpu.dimension_semantics<arbitrary>, #tpu.dimension_semantics<arbitrary>], iteration_bounds = array<i64: 8, 8>, scalar_prefetch = 0 : i64, scratch_operands = 0 : i64, tpu.core_type = #tpu.core_type<tc>, window_params = [{transform_indices = @transform_0, window_bounds = array<i64: 1, 256, 8>}, {transform_indices = @transform_1, window_bounds = array<i64: 1, 2048, 8>}, {transform_indices = @transform_2, window_bounds = array<i64: 1, 256, 64>}, {pipeline_mode = #tpu.pipeline_mode<synchronous>, transform_indices = @transform_3, window_bounds = array<i64: 64, 64>}, {transform_indices = @transform_4, window_bounds = array<i64: 1, 256, 16>}, {transform_indices = @transform_5, window_bounds = array<i64: 1, 256, 128>}]} {
    %get3A = arith.constant 0 : index
    %get3A_0 = arith.constant 0 : index
    %get3A_1 = arith.constant 0 : index
    %get3A_2 = vector.load %arg2[%get3A, %get3A_0, %get3A_1] : memref<1x256x8xf32, #tpu.memory_space<vmem>>, vector<1x256x8xf32>
    %get3A_3 = vector.shape_cast %get3A_2 : vector<1x256x8xf32> to vector<256x8xf32>
    %get3A_4 = arith.constant 0 : index
    %get3A_5 = arith.constant 0 : index
    %get3A_6 = arith.constant 0 : index
    %get3A_7 = vector.load %arg3[%get3A_4, %get3A_5, %get3A_6] : memref<1x2048x8xf32, #tpu.memory_space<vmem>>, vector<1x2048x8xf32>
    %get3A_8 = vector.shape_cast %get3A_7 : vector<1x2048x8xf32> to vector<2048x8xf32>
    %get3A_9 = arith.constant 0 : index
    %get3A_10 = arith.constant 0 : index
    %get3A_11 = arith.constant 0 : index
    %get3A_12 = vector.load %arg4[%get3A_9, %get3A_10, %get3A_11] : memref<1x256x64xf32, #tpu.memory_space<vmem>>, vector<1x256x64xf32>
    %get3A_13 = vector.shape_cast %get3A_12 : vector<1x256x64xf32> to vector<256x64xf32>
    %dot_general3A = arith.constant dense<0.000000e+00> : vector<256x2048xf32>
    %dot_general3A_14 = tpu.matmul %get3A_3, %get3A_8, %dot_general3A {dimension_numbers = #tpu.dot_dimension_numbers<[1], [1], [0], [0], [0, 0, 1, 0], [], []>, transpose_lhs_hint = false} : vector<256x8xf32>, vector<2048x8xf32>, vector<256x2048xf32> -> vector<256x2048xf32>
    %mul3A = arith.mulf %get3A_3, %get3A_3 : vector<256x8xf32>
    %reduce_sum3A = arith.constant dense<0.000000e+00> : vector<256xf32>
    %reduce_sum3A_15 = vector.multi_reduction <add>, %mul3A, %reduce_sum3A [1] : vector<256x8xf32> to vector<256xf32>
    %broadcast_in_dim3A = vector.shape_cast %reduce_sum3A_15 : vector<256xf32> to vector<256x1xf32>
    %mul3A_16 = arith.mulf %get3A_8, %get3A_8 : vector<2048x8xf32>
    %reduce_sum3A_17 = arith.constant dense<0.000000e+00> : vector<2048xf32>
    %reduce_sum3A_18 = vector.multi_reduction <add>, %mul3A_16, %reduce_sum3A_17 [1] : vector<2048x8xf32> to vector<2048xf32>
    %mul3A_19 = arith.constant 2.000000e+00 : f32
    %mul3A_20 = vector.broadcast %mul3A_19 : f32 to vector<256x2048xf32>
    %mul3A_21 = arith.mulf %mul3A_20, %dot_general3A_14 : vector<256x2048xf32>
    %sub3A = vector.broadcast %broadcast_in_dim3A : vector<256x1xf32> to vector<256x2048xf32>
    %sub3A_22 = arith.subf %sub3A, %mul3A_21 : vector<256x2048xf32>
    %broadcast_in_dim3A_23 = vector.shape_cast %reduce_sum3A_18 : vector<2048xf32> to vector<1x2048xf32>
    %add3A = vector.broadcast %broadcast_in_dim3A_23 : vector<1x2048xf32> to vector<256x2048xf32>
    %add3A_24 = arith.addf %sub3A_22, %add3A : vector<256x2048xf32>
    %max3A = arith.constant 0.000000e+00 : f32
    %max3A_25 = vector.broadcast %max3A : f32 to vector<256x2048xf32>
    %max3A_26 = arith.maximumf %add3A_24, %max3A_25 : vector<256x2048xf32>
    %mul3A_27 = arith.constant 256 : i32
    %mul3A_28 = arith.muli %arg1, %mul3A_27 : i32
    %iota3A = tpu.iota {dimensions = array<i32: 1>} : vector<256x2048xi32>
    %iota3A_29 = tpu.iota {dimensions = array<i32: 0>} : vector<256x2048xi32>
    %add3A_30 = vector.broadcast %mul3A_28 : i32 to vector<256x2048xi32>
    %add3A_31 = arith.addi %add3A_30, %iota3A_29 : vector<256x2048xi32>
    %eq3A = arith.cmpi eq, %iota3A, %add3A_31 : vector<256x2048xi32>
    %jit3A = arith.constant 0x7F800000 : f32
    %broadcast_in_dim3A_32 = vector.broadcast %jit3A : f32 to vector<256x2048xf32>
    %select_n3A = arith.select %eq3A, %broadcast_in_dim3A_32, %max3A_26 : vector<256x2048xi1>, vector<256x2048xf32>
    %bitcast_convert_type3A = tpu.bitcast %select_n3A : vector<256x2048xf32> -> vector<256x2048xi32>
    %and3A = arith.constant -2048 : i32
    %and3A_33 = vector.broadcast %and3A : i32 to vector<256x2048xi32>
    %and3A_34 = arith.andi %bitcast_convert_type3A, %and3A_33 : vector<256x2048xi32>
    %or3A = arith.ori %and3A_34, %iota3A : vector<256x2048xi32>
    %mul3A_35 = arith.constant 2048 : i32
    %mul3A_36 = arith.muli %arg0, %mul3A_35 : i32
    %reduce_min3A = arith.constant dense<2147483647> : vector<256xi32>
    %reduce_min3A_37 = vector.multi_reduction <minsi>, %or3A, %reduce_min3A [1] : vector<256x2048xi32> to vector<256xi32>
    %broadcast_in_dim3A_38 = vector.shape_cast %reduce_min3A_37 : vector<256xi32> to vector<256x1xi32>
    %and3A_39 = arith.constant 2047 : i32
    %and3A_40 = vector.broadcast %and3A_39 : i32 to vector<256x1xi32>
    %and3A_41 = arith.andi %broadcast_in_dim3A_38, %and3A_40 : vector<256x1xi32>
    %add3A_42 = vector.broadcast %mul3A_36 : i32 to vector<256x1xi32>
    %add3A_43 = arith.addi %and3A_41, %add3A_42 : vector<256x1xi32>
    %eq3A_44 = vector.broadcast %broadcast_in_dim3A_38 : vector<256x1xi32> to vector<256x2048xi32>
    %eq3A_45 = arith.cmpi eq, %or3A, %eq3A_44 : vector<256x2048xi32>
    %jit3A_46 = arith.constant 2147483647 : i32
    %broadcast_in_dim3A_47 = vector.broadcast %jit3A_46 : i32 to vector<256x2048xi32>
    %select_n3A_48 = arith.select %eq3A_45, %broadcast_in_dim3A_47, %or3A : vector<256x2048xi1>, vector<256x2048xi32>
    %reduce_min3A_49 = arith.constant dense<2147483647> : vector<256xi32>
    %reduce_min3A_50 = vector.multi_reduction <minsi>, %select_n3A_48, %reduce_min3A_49 [1] : vector<256x2048xi32> to vector<256xi32>
    %broadcast_in_dim3A_51 = vector.shape_cast %reduce_min3A_50 : vector<256xi32> to vector<256x1xi32>
    %and3A_52 = arith.constant 2047 : i32
    %and3A_53 = vector.broadcast %and3A_52 : i32 to vector<256x1xi32>
    %and3A_54 = arith.andi %broadcast_in_dim3A_51, %and3A_53 : vector<256x1xi32>
    %add3A_55 = vector.broadcast %mul3A_36 : i32 to vector<256x1xi32>
    %add3A_56 = arith.addi %and3A_54, %add3A_55 : vector<256x1xi32>
    %eq3A_57 = vector.broadcast %broadcast_in_dim3A_51 : vector<256x1xi32> to vector<256x2048xi32>
    %eq3A_58 = arith.cmpi eq, %select_n3A_48, %eq3A_57 : vector<256x2048xi32>
    %jit3A_59 = arith.constant 2147483647 : i32
    %broadcast_in_dim3A_60 = vector.broadcast %jit3A_59 : i32 to vector<256x2048xi32>
    %select_n3A_61 = arith.select %eq3A_58, %broadcast_in_dim3A_60, %select_n3A_48 : vector<256x2048xi1>, vector<256x2048xi32>
    %reduce_min3A_62 = arith.constant dense<2147483647> : vector<256xi32>
    %reduce_min3A_63 = vector.multi_reduction <minsi>, %select_n3A_61, %reduce_min3A_62 [1] : vector<256x2048xi32> to vector<256xi32>
    %broadcast_in_dim3A_64 = vector.shape_cast %reduce_min3A_63 : vector<256xi32> to vector<256x1xi32>
    %and3A_65 = arith.constant 2047 : i32
    %and3A_66 = vector.broadcast %and3A_65 : i32 to vector<256x1xi32>
    %and3A_67 = arith.andi %broadcast_in_dim3A_64, %and3A_66 : vector<256x1xi32>
    %add3A_68 = vector.broadcast %mul3A_36 : i32 to vector<256x1xi32>
    %add3A_69 = arith.addi %and3A_67, %add3A_68 : vector<256x1xi32>
    %eq3A_70 = vector.broadcast %broadcast_in_dim3A_64 : vector<256x1xi32> to vector<256x2048xi32>
    %eq3A_71 = arith.cmpi eq, %select_n3A_61, %eq3A_70 : vector<256x2048xi32>
    %jit3A_72 = arith.constant 2147483647 : i32
    %broadcast_in_dim3A_73 = vector.broadcast %jit3A_72 : i32 to vector<256x2048xi32>
    %select_n3A_74 = arith.select %eq3A_71, %broadcast_in_dim3A_73, %select_n3A_61 : vector<256x2048xi1>, vector<256x2048xi32>
    %reduce_min3A_75 = arith.constant dense<2147483647> : vector<256xi32>
    %reduce_min3A_76 = vector.multi_reduction <minsi>, %select_n3A_74, %reduce_min3A_75 [1] : vector<256x2048xi32> to vector<256xi32>
    %broadcast_in_dim3A_77 = vector.shape_cast %reduce_min3A_76 : vector<256xi32> to vector<256x1xi32>
    %and3A_78 = arith.constant 2047 : i32
    %and3A_79 = vector.broadcast %and3A_78 : i32 to vector<256x1xi32>
    %and3A_80 = arith.andi %broadcast_in_dim3A_77, %and3A_79 : vector<256x1xi32>
    %add3A_81 = vector.broadcast %mul3A_36 : i32 to vector<256x1xi32>
    %add3A_82 = arith.addi %and3A_80, %add3A_81 : vector<256x1xi32>
    %eq3A_83 = vector.broadcast %broadcast_in_dim3A_77 : vector<256x1xi32> to vector<256x2048xi32>
    %eq3A_84 = arith.cmpi eq, %select_n3A_74, %eq3A_83 : vector<256x2048xi32>
    %jit3A_85 = arith.constant 2147483647 : i32
    %broadcast_in_dim3A_86 = vector.broadcast %jit3A_85 : i32 to vector<256x2048xi32>
    %select_n3A_87 = arith.select %eq3A_84, %broadcast_in_dim3A_86, %select_n3A_74 : vector<256x2048xi1>, vector<256x2048xi32>
    %reduce_min3A_88 = arith.constant dense<2147483647> : vector<256xi32>
    %reduce_min3A_89 = vector.multi_reduction <minsi>, %select_n3A_87, %reduce_min3A_88 [1] : vector<256x2048xi32> to vector<256xi32>
    %broadcast_in_dim3A_90 = vector.shape_cast %reduce_min3A_89 : vector<256xi32> to vector<256x1xi32>
    %and3A_91 = arith.constant 2047 : i32
    %and3A_92 = vector.broadcast %and3A_91 : i32 to vector<256x1xi32>
    %and3A_93 = arith.andi %broadcast_in_dim3A_90, %and3A_92 : vector<256x1xi32>
    %add3A_94 = vector.broadcast %mul3A_36 : i32 to vector<256x1xi32>
    %add3A_95 = arith.addi %and3A_93, %add3A_94 : vector<256x1xi32>
    %eq3A_96 = vector.broadcast %broadcast_in_dim3A_90 : vector<256x1xi32> to vector<256x2048xi32>
    %eq3A_97 = arith.cmpi eq, %select_n3A_87, %eq3A_96 : vector<256x2048xi32>
    %jit3A_98 = arith.constant 2147483647 : i32
    %broadcast_in_dim3A_99 = vector.broadcast %jit3A_98 : i32 to vector<256x2048xi32>
    %select_n3A_100 = arith.select %eq3A_97, %broadcast_in_dim3A_99, %select_n3A_87 : vector<256x2048xi1>, vector<256x2048xi32>
    %reduce_min3A_101 = arith.constant dense<2147483647> : vector<256xi32>
    %reduce_min3A_102 = vector.multi_reduction <minsi>, %select_n3A_100, %reduce_min3A_101 [1] : vector<256x2048xi32> to vector<256xi32>
    %broadcast_in_dim3A_103 = vector.shape_cast %reduce_min3A_102 : vector<256xi32> to vector<256x1xi32>
    %and3A_104 = arith.constant 2047 : i32
    %and3A_105 = vector.broadcast %and3A_104 : i32 to vector<256x1xi32>
    %and3A_106 = arith.andi %broadcast_in_dim3A_103, %and3A_105 : vector<256x1xi32>
    %add3A_107 = vector.broadcast %mul3A_36 : i32 to vector<256x1xi32>
    %add3A_108 = arith.addi %and3A_106, %add3A_107 : vector<256x1xi32>
    %eq3A_109 = vector.broadcast %broadcast_in_dim3A_103 : vector<256x1xi32> to vector<256x2048xi32>
    %eq3A_110 = arith.cmpi eq, %select_n3A_100, %eq3A_109 : vector<256x2048xi32>
    %jit3A_111 = arith.constant 2147483647 : i32
    %broadcast_in_dim3A_112 = vector.broadcast %jit3A_111 : i32 to vector<256x2048xi32>
    %select_n3A_113 = arith.select %eq3A_110, %broadcast_in_dim3A_112, %select_n3A_100 : vector<256x2048xi1>, vector<256x2048xi32>
    %reduce_min3A_114 = arith.constant dense<2147483647> : vector<256xi32>
    %reduce_min3A_115 = vector.multi_reduction <minsi>, %select_n3A_113, %reduce_min3A_114 [1] : vector<256x2048xi32> to vector<256xi32>
    %broadcast_in_dim3A_116 = vector.shape_cast %reduce_min3A_115 : vector<256xi32> to vector<256x1xi32>
    %and3A_117 = arith.constant 2047 : i32
    %and3A_118 = vector.broadcast %and3A_117 : i32 to vector<256x1xi32>
    %and3A_119 = arith.andi %broadcast_in_dim3A_116, %and3A_118 : vector<256x1xi32>
    %add3A_120 = vector.broadcast %mul3A_36 : i32 to vector<256x1xi32>
    %add3A_121 = arith.addi %and3A_119, %add3A_120 : vector<256x1xi32>
    %eq3A_122 = vector.broadcast %broadcast_in_dim3A_116 : vector<256x1xi32> to vector<256x2048xi32>
    %eq3A_123 = arith.cmpi eq, %select_n3A_113, %eq3A_122 : vector<256x2048xi32>
    %jit3A_124 = arith.constant 2147483647 : i32
    %broadcast_in_dim3A_125 = vector.broadcast %jit3A_124 : i32 to vector<256x2048xi32>
    %select_n3A_126 = arith.select %eq3A_123, %broadcast_in_dim3A_125, %select_n3A_113 : vector<256x2048xi1>, vector<256x2048xi32>
    %reduce_min3A_127 = arith.constant dense<2147483647> : vector<256xi32>
    %reduce_min3A_128 = vector.multi_reduction <minsi>, %select_n3A_126, %reduce_min3A_127 [1] : vector<256x2048xi32> to vector<256xi32>
    %broadcast_in_dim3A_129 = vector.shape_cast %reduce_min3A_128 : vector<256xi32> to vector<256x1xi32>
    %and3A_130 = arith.constant 2047 : i32
    %and3A_131 = vector.broadcast %and3A_130 : i32 to vector<256x1xi32>
    %and3A_132 = arith.andi %broadcast_in_dim3A_129, %and3A_131 : vector<256x1xi32>
    %add3A_133 = vector.broadcast %mul3A_36 : i32 to vector<256x1xi32>
    %add3A_134 = arith.addi %and3A_132, %add3A_133 : vector<256x1xi32>
    %eq3A_135 = vector.broadcast %broadcast_in_dim3A_129 : vector<256x1xi32> to vector<256x2048xi32>
    %eq3A_136 = arith.cmpi eq, %select_n3A_126, %eq3A_135 : vector<256x2048xi32>
    %jit3A_137 = arith.constant 2147483647 : i32
    %broadcast_in_dim3A_138 = vector.broadcast %jit3A_137 : i32 to vector<256x2048xi32>
    %select_n3A_139 = arith.select %eq3A_136, %broadcast_in_dim3A_138, %select_n3A_126 : vector<256x2048xi1>, vector<256x2048xi32>
    %reduce_min3A_140 = arith.constant dense<2147483647> : vector<256xi32>
    %reduce_min3A_141 = vector.multi_reduction <minsi>, %select_n3A_139, %reduce_min3A_140 [1] : vector<256x2048xi32> to vector<256xi32>
    %broadcast_in_dim3A_142 = vector.shape_cast %reduce_min3A_141 : vector<256xi32> to vector<256x1xi32>
    %and3A_143 = arith.constant 2047 : i32
    %and3A_144 = vector.broadcast %and3A_143 : i32 to vector<256x1xi32>
    %and3A_145 = arith.andi %broadcast_in_dim3A_142, %and3A_144 : vector<256x1xi32>
    %add3A_146 = vector.broadcast %mul3A_36 : i32 to vector<256x1xi32>
    %add3A_147 = arith.addi %and3A_145, %add3A_146 : vector<256x1xi32>
    %eq3A_148 = vector.broadcast %broadcast_in_dim3A_142 : vector<256x1xi32> to vector<256x2048xi32>
    %eq3A_149 = arith.cmpi eq, %select_n3A_139, %eq3A_148 : vector<256x2048xi32>
    %jit3A_150 = arith.constant 2147483647 : i32
    %broadcast_in_dim3A_151 = vector.broadcast %jit3A_150 : i32 to vector<256x2048xi32>
    %select_n3A_152 = arith.select %eq3A_149, %broadcast_in_dim3A_151, %select_n3A_139 : vector<256x2048xi1>, vector<256x2048xi32>
    %reduce_min3A_153 = arith.constant dense<2147483647> : vector<256xi32>
    %reduce_min3A_154 = vector.multi_reduction <minsi>, %select_n3A_152, %reduce_min3A_153 [1] : vector<256x2048xi32> to vector<256xi32>
    %broadcast_in_dim3A_155 = vector.shape_cast %reduce_min3A_154 : vector<256xi32> to vector<256x1xi32>
    %and3A_156 = arith.constant 2047 : i32
    %and3A_157 = vector.broadcast %and3A_156 : i32 to vector<256x1xi32>
    %and3A_158 = arith.andi %broadcast_in_dim3A_155, %and3A_157 : vector<256x1xi32>
    %add3A_159 = vector.broadcast %mul3A_36 : i32 to vector<256x1xi32>
    %add3A_160 = arith.addi %and3A_158, %add3A_159 : vector<256x1xi32>
    %eq3A_161 = vector.broadcast %broadcast_in_dim3A_155 : vector<256x1xi32> to vector<256x2048xi32>
    %eq3A_162 = arith.cmpi eq, %select_n3A_152, %eq3A_161 : vector<256x2048xi32>
    %jit3A_163 = arith.constant 2147483647 : i32
    %broadcast_in_dim3A_164 = vector.broadcast %jit3A_163 : i32 to vector<256x2048xi32>
    %select_n3A_165 = arith.select %eq3A_162, %broadcast_in_dim3A_164, %select_n3A_152 : vector<256x2048xi1>, vector<256x2048xi32>
    %reduce_min3A_166 = arith.constant dense<2147483647> : vector<256xi32>
    %reduce_min3A_167 = vector.multi_reduction <minsi>, %select_n3A_165, %reduce_min3A_166 [1] : vector<256x2048xi32> to vector<256xi32>
    %broadcast_in_dim3A_168 = vector.shape_cast %reduce_min3A_167 : vector<256xi32> to vector<256x1xi32>
    %and3A_169 = arith.constant 2047 : i32
    %and3A_170 = vector.broadcast %and3A_169 : i32 to vector<256x1xi32>
    %and3A_171 = arith.andi %broadcast_in_dim3A_168, %and3A_170 : vector<256x1xi32>
    %add3A_172 = vector.broadcast %mul3A_36 : i32 to vector<256x1xi32>
    %add3A_173 = arith.addi %and3A_171, %add3A_172 : vector<256x1xi32>
    %eq3A_174 = vector.broadcast %broadcast_in_dim3A_168 : vector<256x1xi32> to vector<256x2048xi32>
    %eq3A_175 = arith.cmpi eq, %select_n3A_165, %eq3A_174 : vector<256x2048xi32>
    %jit3A_176 = arith.constant 2147483647 : i32
    %broadcast_in_dim3A_177 = vector.broadcast %jit3A_176 : i32 to vector<256x2048xi32>
    %select_n3A_178 = arith.select %eq3A_175, %broadcast_in_dim3A_177, %select_n3A_165 : vector<256x2048xi1>, vector<256x2048xi32>
    %reduce_min3A_179 = arith.constant dense<2147483647> : vector<256xi32>
    %reduce_min3A_180 = vector.multi_reduction <minsi>, %select_n3A_178, %reduce_min3A_179 [1] : vector<256x2048xi32> to vector<256xi32>
    %broadcast_in_dim3A_181 = vector.shape_cast %reduce_min3A_180 : vector<256xi32> to vector<256x1xi32>
    %and3A_182 = arith.constant 2047 : i32
    %and3A_183 = vector.broadcast %and3A_182 : i32 to vector<256x1xi32>
    %and3A_184 = arith.andi %broadcast_in_dim3A_181, %and3A_183 : vector<256x1xi32>
    %add3A_185 = vector.broadcast %mul3A_36 : i32 to vector<256x1xi32>
    %add3A_186 = arith.addi %and3A_184, %add3A_185 : vector<256x1xi32>
    %eq3A_187 = vector.broadcast %broadcast_in_dim3A_181 : vector<256x1xi32> to vector<256x2048xi32>
    %eq3A_188 = arith.cmpi eq, %select_n3A_178, %eq3A_187 : vector<256x2048xi32>
    %jit3A_189 = arith.constant 2147483647 : i32
    %broadcast_in_dim3A_190 = vector.broadcast %jit3A_189 : i32 to vector<256x2048xi32>
    %select_n3A_191 = arith.select %eq3A_188, %broadcast_in_dim3A_190, %select_n3A_178 : vector<256x2048xi1>, vector<256x2048xi32>
    %reduce_min3A_192 = arith.constant dense<2147483647> : vector<256xi32>
    %reduce_min3A_193 = vector.multi_reduction <minsi>, %select_n3A_191, %reduce_min3A_192 [1] : vector<256x2048xi32> to vector<256xi32>
    %broadcast_in_dim3A_194 = vector.shape_cast %reduce_min3A_193 : vector<256xi32> to vector<256x1xi32>
    %and3A_195 = arith.constant 2047 : i32
    %and3A_196 = vector.broadcast %and3A_195 : i32 to vector<256x1xi32>
    %and3A_197 = arith.andi %broadcast_in_dim3A_194, %and3A_196 : vector<256x1xi32>
    %add3A_198 = vector.broadcast %mul3A_36 : i32 to vector<256x1xi32>
    %add3A_199 = arith.addi %and3A_197, %add3A_198 : vector<256x1xi32>
    %eq3A_200 = vector.broadcast %broadcast_in_dim3A_194 : vector<256x1xi32> to vector<256x2048xi32>
    %eq3A_201 = arith.cmpi eq, %select_n3A_191, %eq3A_200 : vector<256x2048xi32>
    %jit3A_202 = arith.constant 2147483647 : i32
    %broadcast_in_dim3A_203 = vector.broadcast %jit3A_202 : i32 to vector<256x2048xi32>
    %select_n3A_204 = arith.select %eq3A_201, %broadcast_in_dim3A_203, %select_n3A_191 : vector<256x2048xi1>, vector<256x2048xi32>
    %reduce_min3A_205 = arith.constant dense<2147483647> : vector<256xi32>
    %reduce_min3A_206 = vector.multi_reduction <minsi>, %select_n3A_204, %reduce_min3A_205 [1] : vector<256x2048xi32> to vector<256xi32>
    %broadcast_in_dim3A_207 = vector.shape_cast %reduce_min3A_206 : vector<256xi32> to vector<256x1xi32>
    %and3A_208 = arith.constant 2047 : i32
    %and3A_209 = vector.broadcast %and3A_208 : i32 to vector<256x1xi32>
    %and3A_210 = arith.andi %broadcast_in_dim3A_207, %and3A_209 : vector<256x1xi32>
    %add3A_211 = vector.broadcast %mul3A_36 : i32 to vector<256x1xi32>
    %add3A_212 = arith.addi %and3A_210, %add3A_211 : vector<256x1xi32>
    %eq3A_213 = vector.broadcast %broadcast_in_dim3A_207 : vector<256x1xi32> to vector<256x2048xi32>
    %eq3A_214 = arith.cmpi eq, %select_n3A_204, %eq3A_213 : vector<256x2048xi32>
    %jit3A_215 = arith.constant 2147483647 : i32
    %broadcast_in_dim3A_216 = vector.broadcast %jit3A_215 : i32 to vector<256x2048xi32>
    %select_n3A_217 = arith.select %eq3A_214, %broadcast_in_dim3A_216, %select_n3A_204 : vector<256x2048xi1>, vector<256x2048xi32>
    %reduce_min3A_218 = arith.constant dense<2147483647> : vector<256xi32>
    %reduce_min3A_219 = vector.multi_reduction <minsi>, %select_n3A_217, %reduce_min3A_218 [1] : vector<256x2048xi32> to vector<256xi32>
    %broadcast_in_dim3A_220 = vector.shape_cast %reduce_min3A_219 : vector<256xi32> to vector<256x1xi32>
    %and3A_221 = arith.constant 2047 : i32
    %and3A_222 = vector.broadcast %and3A_221 : i32 to vector<256x1xi32>
    %and3A_223 = arith.andi %broadcast_in_dim3A_220, %and3A_222 : vector<256x1xi32>
    %add3A_224 = vector.broadcast %mul3A_36 : i32 to vector<256x1xi32>
    %add3A_225 = arith.addi %and3A_223, %add3A_224 : vector<256x1xi32>
    %eq3A_226 = vector.broadcast %broadcast_in_dim3A_220 : vector<256x1xi32> to vector<256x2048xi32>
    %eq3A_227 = arith.cmpi eq, %select_n3A_217, %eq3A_226 : vector<256x2048xi32>
    %jit3A_228 = arith.constant 2147483647 : i32
    %broadcast_in_dim3A_229 = vector.broadcast %jit3A_228 : i32 to vector<256x2048xi32>
    %select_n3A_230 = arith.select %eq3A_227, %broadcast_in_dim3A_229, %select_n3A_217 : vector<256x2048xi1>, vector<256x2048xi32>
    %reduce_min3A_231 = arith.constant dense<2147483647> : vector<256xi32>
    %reduce_min3A_232 = vector.multi_reduction <minsi>, %select_n3A_230, %reduce_min3A_231 [1] : vector<256x2048xi32> to vector<256xi32>
    %broadcast_in_dim3A_233 = vector.shape_cast %reduce_min3A_232 : vector<256xi32> to vector<256x1xi32>
    %and3A_234 = arith.constant 2047 : i32
    %and3A_235 = vector.broadcast %and3A_234 : i32 to vector<256x1xi32>
    %and3A_236 = arith.andi %broadcast_in_dim3A_233, %and3A_235 : vector<256x1xi32>
    %add3A_237 = vector.broadcast %mul3A_36 : i32 to vector<256x1xi32>
    %add3A_238 = arith.addi %and3A_236, %add3A_237 : vector<256x1xi32>
    %concatenate3A = tpu.concatenate %add3A_43, %add3A_56, %add3A_69, %add3A_82, %add3A_95, %add3A_108, %add3A_121, %add3A_134, %add3A_147, %add3A_160, %add3A_173, %add3A_186, %add3A_199, %add3A_212, %add3A_225, %add3A_238 in 1 : vector<256x1xi32>, vector<256x1xi32>, vector<256x1xi32>, vector<256x1xi32>, vector<256x1xi32>, vector<256x1xi32>, vector<256x1xi32>, vector<256x1xi32>, vector<256x1xi32>, vector<256x1xi32>, vector<256x1xi32>, vector<256x1xi32>, vector<256x1xi32>, vector<256x1xi32>, vector<256x1xi32>, vector<256x1xi32> -> vector<256x16xi32>
    %swap3A = arith.constant 0 : index
    %swap3A_239 = arith.constant 0 : index
    %swap3A_240 = arith.constant 0 : index
    %swap3A_241 = vector.load %arg6[%swap3A, %swap3A_239, %swap3A_240] : memref<1x256x16xi32, #tpu.memory_space<vmem>>, vector<1x256x16xi32>
    %swap3A_242 = vector.shape_cast %swap3A_241 : vector<1x256x16xi32> to vector<256x16xi32>
    %swap3A_243 = vector.shape_cast %concatenate3A : vector<256x16xi32> to vector<1x256x16xi32>
    tpu.vector_store %arg6[%swap3A, %swap3A_239, %swap3A_240], %swap3A_243 {strides = array<i32>} : memref<1x256x16xi32, #tpu.memory_space<vmem>>, vector<1x256x16xi32>,
    %get3A_244 = arith.constant 0 : index
    %get3A_245 = arith.constant 0 : index
    %get3A_246 = vector.load %arg5[%get3A_244, %get3A_245] : memref<64x64xf32, #tpu.memory_space<vmem>>, vector<64x64xf32>
    %dot_general3A_247 = arith.constant dense<0.000000e+00> : vector<256x64xf32>
    %dot_general3A_248 = tpu.matmul %get3A_13, %get3A_246, %dot_general3A_247 {dimension_numbers = #tpu.dot_dimension_numbers<[1], [0], [0], [1], [0, 0, 1, 1], [], []>, transpose_lhs_hint = false} : vector<256x64xf32>, vector<64x64xf32>, vector<256x64xf32> -> vector<256x64xf32>
    %broadcast_in_dim3A_249 = arith.constant 0.000000e+00 : f32
    %broadcast_in_dim3A_250 = vector.broadcast %broadcast_in_dim3A_249 : f32 to vector<256x64xf32>
    %concatenate3A_251 = tpu.concatenate %dot_general3A_248, %broadcast_in_dim3A_250 in 1 : vector<256x64xf32>, vector<256x64xf32> -> vector<256x128xf32>
    %swap3A_252 = arith.constant 0 : index
    %swap3A_253 = arith.constant 0 : index
    %swap3A_254 = arith.constant 0 : index
    %swap3A_255 = vector.load %arg7[%swap3A_252, %swap3A_253, %swap3A_254] : memref<1x256x128xf32, #tpu.memory_space<vmem>>, vector<1x256x128xf32>
    %swap3A_256 = vector.shape_cast %swap3A_255 : vector<1x256x128xf32> to vector<256x128xf32>
    %swap3A_257 = vector.shape_cast %concatenate3A_251 : vector<256x128xf32> to vector<1x256x128xf32>
    tpu.vector_store %arg7[%swap3A_252, %swap3A_253, %swap3A_254], %swap3A_257 {strides = array<i32>} : memref<1x256x128xf32, #tpu.memory_space<vmem>>, vector<1x256x128xf32>,
    return
  }
  func.func @transform_0(%arg0: i32, %arg1: i32) -> (i32, i32, i32) {
    %c0_i32 = arith.constant 0 : i32
    %c0_i32_0 = arith.constant 0 : i32
    return %arg0, %arg1, %c0_i32 : i32, i32, i32
  }
  func.func @transform_1(%arg0: i32, %arg1: i32) -> (i32, i32, i32) {
    %c0_i32 = arith.constant 0 : i32
    %c0_i32_0 = arith.constant 0 : i32
    %c0_i32_1 = arith.constant 0 : i32
    return %arg0, %c0_i32, %c0_i32_0 : i32, i32, i32
  }
  func.func @transform_2(%arg0: i32, %arg1: i32) -> (i32, i32, i32) {
    %c0_i32 = arith.constant 0 : i32
    %c0_i32_0 = arith.constant 0 : i32
    return %arg0, %arg1, %c0_i32 : i32, i32, i32
  }
  func.func @transform_3(%arg0: i32, %arg1: i32) -> (i32, i32) {
    %c0_i32 = arith.constant 0 : i32
    %c0_i32_0 = arith.constant 0 : i32
    %c0_i32_1 = arith.constant 0 : i32
    return %c0_i32, %c0_i32_0 : i32, i32
  }
  func.func @transform_4(%arg0: i32, %arg1: i32) -> (i32, i32, i32) {
    %c0_i32 = arith.constant 0 : i32
    %c0_i32_0 = arith.constant 0 : i32
    return %arg0, %arg1, %c0_i32 : i32, i32, i32
  }
  func.func @transform_5(%arg0: i32, %arg1: i32) -> (i32, i32, i32) {
    %c0_i32 = arith.constant 0 : i32
    %c0_i32_0 = arith.constant 0 : i32
    return %arg0, %arg1, %c0_i32 : i32, i32, i32
  }
}

module attributes {stable_mosaic.version = 14 : i64} {
  func.func @_mlp_body(%arg0: i32, %arg1: i32, %arg2: memref<1x128x64xf32, #tpu.memory_space<vmem>>, %arg3: memref<1x2048x128xf32, #tpu.memory_space<vmem>>, %arg4: memref<64x64xf32, #tpu.memory_space<vmem>>, %arg5: memref<1x64xf32, #tpu.memory_space<vmem>>, %arg6: memref<64x64xf32, #tpu.memory_space<vmem>>, %arg7: memref<1x64xf32, #tpu.memory_space<vmem>>, %arg8: memref<64x64xf32, #tpu.memory_space<vmem>>, %arg9: memref<1x64xf32, #tpu.memory_space<vmem>>, %arg10: memref<64x64xf32, #tpu.memory_space<vmem>>, %arg11: memref<1x64xf32, #tpu.memory_space<vmem>>, %arg12: memref<1x128x64xf32, #tpu.memory_space<vmem>>) attributes {dimension_semantics = [#tpu.dimension_semantics<arbitrary>, #tpu.dimension_semantics<arbitrary>], iteration_bounds = array<i64: 8, 16>, scalar_prefetch = 0 : i64, scratch_operands = 0 : i64, tpu.core_type = #tpu.core_type<tc>, window_params = [{transform_indices = @transform_0, window_bounds = array<i64: 1, 128, 64>}, {transform_indices = @transform_1, window_bounds = array<i64: 1, 2048, 128>}, {pipeline_mode = #tpu.pipeline_mode<synchronous>, transform_indices = @transform_2, window_bounds = array<i64: 64, 64>}, {pipeline_mode = #tpu.pipeline_mode<synchronous>, transform_indices = @transform_3, window_bounds = array<i64: 1, 64>}, {pipeline_mode = #tpu.pipeline_mode<synchronous>, transform_indices = @transform_4, window_bounds = array<i64: 64, 64>}, {pipeline_mode = #tpu.pipeline_mode<synchronous>, transform_indices = @transform_5, window_bounds = array<i64: 1, 64>}, {pipeline_mode = #tpu.pipeline_mode<synchronous>, transform_indices = @transform_6, window_bounds = array<i64: 64, 64>}, {pipeline_mode = #tpu.pipeline_mode<synchronous>, transform_indices = @transform_7, window_bounds = array<i64: 1, 64>}, {pipeline_mode = #tpu.pipeline_mode<synchronous>, transform_indices = @transform_8, window_bounds = array<i64: 64, 64>}, {pipeline_mode = #tpu.pipeline_mode<synchronous>, transform_indices = @transform_9, window_bounds = array<i64: 1, 64>}, {transform_indices = @transform_10, window_bounds = array<i64: 1, 128, 64>}]} {
    %get3A = arith.constant 0 : index
    %get3A_0 = arith.constant 0 : index
    %get3A_1 = arith.constant 0 : index
    %get3A_2 = vector.load %arg2[%get3A, %get3A_0, %get3A_1] : memref<1x128x64xf32, #tpu.memory_space<vmem>>, vector<1x128x64xf32>
    %get3A_3 = vector.shape_cast %get3A_2 : vector<1x128x64xf32> to vector<128x64xf32>
    %get3A_4 = arith.constant 0 : index
    %get3A_5 = arith.constant 0 : index
    %get3A_6 = arith.constant 0 : index
    %get3A_7 = vector.load %arg3[%get3A_4, %get3A_5, %get3A_6] : memref<1x2048x128xf32, #tpu.memory_space<vmem>>, vector<1x2048x128xf32>
    %get3A_8 = vector.shape_cast %get3A_7 : vector<1x2048x128xf32> to vector<2048x128xf32>
    %slice3A = vector.extract_strided_slice %get3A_8 {offsets = [0, 0], sizes = [2048, 64], strides = [1, 1]} : vector<2048x128xf32> to vector<2048x64xf32>
    %get3A_9 = arith.constant 0 : index
    %get3A_10 = arith.constant 0 : index
    %get3A_11 = vector.load %arg4[%get3A_9, %get3A_10] : memref<64x64xf32, #tpu.memory_space<vmem>>, vector<64x64xf32>
    %dot_general3A = arith.constant dense<0.000000e+00> : vector<128x64xf32>
    %dot_general3A_12 = tpu.matmul %get3A_3, %get3A_11, %dot_general3A {dimension_numbers = #tpu.dot_dimension_numbers<[1], [0], [0], [1], [0, 0, 1, 1], [], []>, transpose_lhs_hint = false} : vector<128x64xf32>, vector<64x64xf32>, vector<128x64xf32> -> vector<128x64xf32>
    %get3A_13 = arith.constant 0 : index
    %get3A_14 = arith.constant 0 : index
    %get3A_15 = vector.load %arg5[%get3A_13, %get3A_14] : memref<1x64xf32, #tpu.memory_space<vmem>>, vector<1x64xf32>
    %add3A = vector.broadcast %get3A_15 : vector<1x64xf32> to vector<128x64xf32>
    %add3A_16 = arith.addf %dot_general3A_12, %add3A : vector<128x64xf32>
    %get3A_17 = arith.constant 0 : index
    %get3A_18 = arith.constant 0 : index
    %get3A_19 = vector.load %arg10[%get3A_17, %get3A_18] : memref<64x64xf32, #tpu.memory_space<vmem>>, vector<64x64xf32>
    %dot_general3A_20 = arith.constant dense<0.000000e+00> : vector<128x64xf32>
    %dot_general3A_21 = tpu.matmul %get3A_3, %get3A_19, %dot_general3A_20 {dimension_numbers = #tpu.dot_dimension_numbers<[1], [0], [0], [1], [0, 0, 1, 1], [], []>, transpose_lhs_hint = false} : vector<128x64xf32>, vector<64x64xf32>, vector<128x64xf32> -> vector<128x64xf32>
    %get3A_22 = arith.constant 0 : index
    %get3A_23 = arith.constant 0 : index
    %get3A_24 = vector.load %arg11[%get3A_22, %get3A_23] : memref<1x64xf32, #tpu.memory_space<vmem>>, vector<1x64xf32>
    %add3A_25 = vector.broadcast %get3A_24 : vector<1x64xf32> to vector<128x64xf32>
    %add3A_26 = arith.addf %dot_general3A_21, %add3A_25 : vector<128x64xf32>
    %reshape3A = vector.shape_cast %slice3A : vector<2048x64xf32> to vector<128x16x64xf32>
    %broadcast_in_dim3A = vector.shape_cast %add3A_16 : vector<128x64xf32> to vector<128x1x64xf32>
    %add3A_27 = vector.broadcast %broadcast_in_dim3A : vector<128x1x64xf32> to vector<128x16x64xf32>
    %add3A_28 = arith.addf %reshape3A, %add3A_27 : vector<128x16x64xf32>
    %max3A = arith.constant 0.000000e+00 : f32
    %max3A_29 = vector.broadcast %max3A : f32 to vector<128x16x64xf32>
    %max3A_30 = arith.maximumf %add3A_28, %max3A_29 : vector<128x16x64xf32>
    %reshape3A_31 = vector.shape_cast %max3A_30 : vector<128x16x64xf32> to vector<2048x64xf32>
    %get3A_32 = arith.constant 0 : index
    %get3A_33 = arith.constant 0 : index
    %get3A_34 = vector.load %arg6[%get3A_32, %get3A_33] : memref<64x64xf32, #tpu.memory_space<vmem>>, vector<64x64xf32>
    %dot_general3A_35 = arith.constant dense<0.000000e+00> : vector<2048x64xf32>
    %dot_general3A_36 = tpu.matmul %reshape3A_31, %get3A_34, %dot_general3A_35 {dimension_numbers = #tpu.dot_dimension_numbers<[1], [0], [0], [1], [0, 0, 1, 1], [], []>, transpose_lhs_hint = false} : vector<2048x64xf32>, vector<64x64xf32>, vector<2048x64xf32> -> vector<2048x64xf32>
    %get3A_37 = arith.constant 0 : index
    %get3A_38 = arith.constant 0 : index
    %get3A_39 = vector.load %arg7[%get3A_37, %get3A_38] : memref<1x64xf32, #tpu.memory_space<vmem>>, vector<1x64xf32>
    %add3A_40 = vector.broadcast %get3A_39 : vector<1x64xf32> to vector<2048x64xf32>
    %add3A_41 = arith.addf %dot_general3A_36, %add3A_40 : vector<2048x64xf32>
    %max3A_42 = arith.constant 0.000000e+00 : f32
    %max3A_43 = vector.broadcast %max3A_42 : f32 to vector<2048x64xf32>
    %max3A_44 = arith.maximumf %add3A_41, %max3A_43 : vector<2048x64xf32>
    %get3A_45 = arith.constant 0 : index
    %get3A_46 = arith.constant 0 : index
    %get3A_47 = vector.load %arg8[%get3A_45, %get3A_46] : memref<64x64xf32, #tpu.memory_space<vmem>>, vector<64x64xf32>
    %dot_general3A_48 = arith.constant dense<0.000000e+00> : vector<2048x64xf32>
    %dot_general3A_49 = tpu.matmul %max3A_44, %get3A_47, %dot_general3A_48 {dimension_numbers = #tpu.dot_dimension_numbers<[1], [0], [0], [1], [0, 0, 1, 1], [], []>, transpose_lhs_hint = false} : vector<2048x64xf32>, vector<64x64xf32>, vector<2048x64xf32> -> vector<2048x64xf32>
    %get3A_50 = arith.constant 0 : index
    %get3A_51 = arith.constant 0 : index
    %get3A_52 = vector.load %arg9[%get3A_50, %get3A_51] : memref<1x64xf32, #tpu.memory_space<vmem>>, vector<1x64xf32>
    %add3A_53 = vector.broadcast %get3A_52 : vector<1x64xf32> to vector<2048x64xf32>
    %add3A_54 = arith.addf %dot_general3A_49, %add3A_53 : vector<2048x64xf32>
    %max3A_55 = arith.constant 0.000000e+00 : f32
    %max3A_56 = vector.broadcast %max3A_55 : f32 to vector<2048x64xf32>
    %max3A_57 = arith.maximumf %add3A_54, %max3A_56 : vector<2048x64xf32>
    %reshape3A_58 = vector.shape_cast %max3A_57 : vector<2048x64xf32> to vector<128x16x64xf32>
    %reduce_sum3A = arith.constant dense<0.000000e+00> : vector<128x64xf32>
    %reduce_sum3A_59 = vector.multi_reduction <add>, %reshape3A_58, %reduce_sum3A [1] : vector<128x16x64xf32> to vector<128x64xf32>
    %div3A = arith.constant 1.600000e+01 : f32
    %div3A_60 = vector.broadcast %div3A : f32 to vector<128x64xf32>
    %div3A_61 = arith.divf %reduce_sum3A_59, %div3A_60 : vector<128x64xf32>
    %add3A_62 = arith.addf %add3A_26, %div3A_61 : vector<128x64xf32>
    %max3A_63 = arith.constant 0.000000e+00 : f32
    %max3A_64 = vector.broadcast %max3A_63 : f32 to vector<128x64xf32>
    %max3A_65 = arith.maximumf %add3A_62, %max3A_64 : vector<128x64xf32>
    %swap3A = arith.constant 0 : index
    %swap3A_66 = arith.constant 0 : index
    %swap3A_67 = arith.constant 0 : index
    %swap3A_68 = vector.load %arg12[%swap3A, %swap3A_66, %swap3A_67] : memref<1x128x64xf32, #tpu.memory_space<vmem>>, vector<1x128x64xf32>
    %swap3A_69 = vector.shape_cast %swap3A_68 : vector<1x128x64xf32> to vector<128x64xf32>
    %swap3A_70 = vector.shape_cast %max3A_65 : vector<128x64xf32> to vector<1x128x64xf32>
    tpu.vector_store %arg12[%swap3A, %swap3A_66, %swap3A_67], %swap3A_70 {strides = array<i32>} : memref<1x128x64xf32, #tpu.memory_space<vmem>>, vector<1x128x64xf32>,
    return
  }
  func.func @transform_0(%arg0: i32, %arg1: i32) -> (i32, i32, i32) {
    %c0_i32 = arith.constant 0 : i32
    %c0_i32_0 = arith.constant 0 : i32
    return %arg0, %arg1, %c0_i32 : i32, i32, i32
  }
  func.func @transform_1(%arg0: i32, %arg1: i32) -> (i32, i32, i32) {
    %c0_i32 = arith.constant 0 : i32
    %c0_i32_0 = arith.constant 0 : i32
    return %arg0, %arg1, %c0_i32 : i32, i32, i32
  }
  func.func @transform_2(%arg0: i32, %arg1: i32) -> (i32, i32) {
    %c0_i32 = arith.constant 0 : i32
    %c0_i32_0 = arith.constant 0 : i32
    %c0_i32_1 = arith.constant 0 : i32
    return %c0_i32, %c0_i32_0 : i32, i32
  }
  func.func @transform_3(%arg0: i32, %arg1: i32) -> (i32, i32) {
    %c0_i32 = arith.constant 0 : i32
    %c0_i32_0 = arith.constant 0 : i32
    %c0_i32_1 = arith.constant 0 : i32
    return %c0_i32, %c0_i32_0 : i32, i32
  }
  func.func @transform_4(%arg0: i32, %arg1: i32) -> (i32, i32) {
    %c0_i32 = arith.constant 0 : i32
    %c0_i32_0 = arith.constant 0 : i32
    %c0_i32_1 = arith.constant 0 : i32
    return %c0_i32, %c0_i32_0 : i32, i32
  }
  func.func @transform_5(%arg0: i32, %arg1: i32) -> (i32, i32) {
    %c0_i32 = arith.constant 0 : i32
    %c0_i32_0 = arith.constant 0 : i32
    %c0_i32_1 = arith.constant 0 : i32
    return %c0_i32, %c0_i32_0 : i32, i32
  }
  func.func @transform_6(%arg0: i32, %arg1: i32) -> (i32, i32) {
    %c0_i32 = arith.constant 0 : i32
    %c0_i32_0 = arith.constant 0 : i32
    %c0_i32_1 = arith.constant 0 : i32
    return %c0_i32, %c0_i32_0 : i32, i32
  }
  func.func @transform_7(%arg0: i32, %arg1: i32) -> (i32, i32) {
    %c0_i32 = arith.constant 0 : i32
    %c0_i32_0 = arith.constant 0 : i32
    %c0_i32_1 = arith.constant 0 : i32
    return %c0_i32, %c0_i32_0 : i32, i32
  }
  func.func @transform_8(%arg0: i32, %arg1: i32) -> (i32, i32) {
    %c0_i32 = arith.constant 0 : i32
    %c0_i32_0 = arith.constant 0 : i32
    %c0_i32_1 = arith.constant 0 : i32
    return %c0_i32, %c0_i32_0 : i32, i32
  }
  func.func @transform_9(%arg0: i32, %arg1: i32) -> (i32, i32) {
    %c0_i32 = arith.constant 0 : i32
    %c0_i32_0 = arith.constant 0 : i32
    %c0_i32_1 = arith.constant 0 : i32
    return %c0_i32, %c0_i32_0 : i32, i32
  }
  func.func @transform_10(%arg0: i32, %arg1: i32) -> (i32, i32, i32) {
    %c0_i32 = arith.constant 0 : i32
    %c0_i32_0 = arith.constant 0 : i32
    return %arg0, %arg1, %c0_i32 : i32, i32, i32
  }
}

</mosaic_0001>

<sc_bundles>
// kernel: kernel.5.cloned.1.call-start
scs
__scs_entry_jumppad:
0x0: {  	(pc) =	sbr.rel $0x88, $3  }
0x1: {  	(tag) =	ssettag $0x0;
	lr =	simm.s32 $0x1  }
0x2: {  	[smem:$0x3F8B] =	sst lr;
	_ =	strace $0xD0000000  }
0x3: {  	_ = 	snop  }
0x4: {  	_ = 	snop  }
0x5: {  	_ = 	snop  }
0x6: {  	_ = 	snop  }
0x7: {  	_ = 	snop  }
__scs_overlays_trampoline_lowered:
0x8: {  	[smem:$0x3F9A] =	sst s0  }
0x9: {  	[smem:$0x3F9B] =	sst s1  }
0xa: {  	[smem:$0x3F9C] =	sst s2  }
0xb: {  	[smem:$0x3F9D] =	sst s3  }
0xc: {  	[smem:$0x3F9E] =	sst s4  }
0xd: {  	[smem:$0x3F9F] =	sst s5  }
0xe: {  	[smem:$0x3FA0] =	sst s6  }
0xf: {  	[smem:$0x3FA1] =	sst s7  }
0x10: {  	[smem:$0x3FA2] =	sst s8  }
0x11: {  	[smem:$0x3FA3] =	sst s9;
	s0 =	simm.s32 @!p0 $0x0  }
0x12: {  	s1 =	sld [smem:$0x3F89];
	s0 =	simm.s32 @p0 $0x1  }
0x13: {  	[smem:$0x3FA4] =	sst s0;
	s0 =	simm.s32 @!p1 $0x0  }
0x14: {  	s2 =	sld [smem:$0x3F88];
	s0 =	simm.s32 @p1 $0x1  }
0x15: {  	[smem:$0x3FA5] =	sst s0;
	s0 =	simm.s32 @!p2 $0x0  }
0x16: {  	s3 =	sld [smem:$0x3FDB];
	s0 =	simm.s32 @p2 $0x1  }
0x17: {  	s4 =	simm.s32 $0x1BF5;
	[smem:$0x3FA7] =	sst s0  }
0x18: {  	s0 =	sld [smem:$0x3F8A];
	_ =	swait.ge [sflag:s4], $0x0  }
0x19: {  	s7 =	sld [smem:$0x3F8B]  }
0x1a: {  	s8 =	sadd.s32 $0xFFFFE003, lr  }
0x1b: {  	s9 =	sadd.s32 $0xFFFFFEF7, lr;
	s5 =	simm.s32 $0xFFFFFFFF;
	p2 =	slt.u32 s8, $0xFFFFF086  }
0x1c: {  	p1 =	slt.u32 s9, $0xF7A;
	s5 =	simm.s32 @!p2 $0x0  }
0x1d: {  	s5 =	simm.s32 @p1 $0x1;
	p0 =	seq.s32 s7, s2  }
0x1e: {  	s7 =	smul.u32 @!p0 $0xF7A, s2;
	p2 =	seq.s32 @!p0 s5, $0x0  }
0x1f: {  	s9 =	smul.u32 $0xF7A, s1;
	s8 =	simm.s32 @!p0 $0x1BF5;
	p2 =	por !p2, p0  }
0x20: {  	[sflag:s8] =	ssyncset.s32 @!p0 $0xFFFFF086;
	s6 =	sadd.s32 @!p0 s3, s7;
	s7 =	simm.s32 @!p0 $0x108  }
0x21: {  	s3 =	sadd.s32 s3, s9;
	s6 =	sadd.s32 @!p0 $0x88, s6;
	s7 =	simm.s32 @p2 $0x1082  }
0x22: {  	[simem:s7], [sflag:s8] =	dma.local @!p0 [hbm:s6], $0xF7A  }
0x23: {  	s9 =	sor.u32 $0xD0000000, s2;
	s6 =	simm.s32 $0x108;
	_ =	swait.ge @!p0 [sflag:s8], $0x0  }
0x24: {  	s3 =	sadd.s32 $0x88, s3;
	s6 =	simm.s32 @!p1 $0x1082;
	[sflag:s4] =	ssyncset.s32 $0xFFFFF086  }
0x25: {  	[simem:s6], [sflag:s4] =	dma.local [hbm:s3], $0xF7A  }
0x26: {  	[smem:$0x3F8B] =	sst s1;
	(tag) =	ssettag s2;
	_ =	strace s9  }
0x27: {  	s1 =	sld [smem:$0x3F9B]  }
0x28: {  	s2 =	sld [smem:$0x3F9C]  }
0x29: {  	s4 =	sld [smem:$0x3F9E]  }
0x2a: {  	p0 =	seq.s32 s5, $0x0;
	s5 =	sld [smem:$0x3F9F]  }
0x2b: {  	s6 =	sld [smem:$0x3FA0]  }
0x2c: {  	s7 =	sld [smem:$0x3FA1]  }
0x2d: {  	s3 =	simm.s32 $0x108;
	s8 =	sld [smem:$0x3FA2]  }
0x2e: {  	s3 =	simm.s32 @!p0 $0x1082;
	s9 =	sld [smem:$0x3FA3]  }
0x2f: {  	lr =	sadd.s32 s0, s3;
	s0 =	sld [smem:$0x3F9A]  }
0x30: {  	s3 =	sld [smem:$0x3F9D]  }
0x31: {  	[smem:$0x3FA6] =	sst s10  }
0x32: {  	s10 =	sld [smem:$0x3FA4];
	_ =	sdelay $0x3  }
0x33: {  	p0 =	seq.s32 s10, $0x1;
	s10 =	sld [smem:$0x3FA6];
	_ =	sdelay $0x3  }
0x34: {  	[smem:$0x3FA6] =	sst s10  }
0x35: {  	s10 =	sld [smem:$0x3FA5];
	_ =	sdelay $0x3  }
0x36: {  	p1 =	seq.s32 s10, $0x1;
	s10 =	sld [smem:$0x3FA6];
	_ =	sdelay $0x3  }
0x37: {  	[smem:$0x3FA6] =	sst s10  }
0x38: {  	s10 =	sld [smem:$0x3FA7]  }
0x39: {  	_ = 	snop;
	(pc) =	sbr.ind lr, $3  }
0x3a: {  	_ = 	snop  }
0x3b: {  	_ = 	snop  }
0x3c: {  	p2 =	seq.s32 s10, $0x1;
	s10 =	sld [smem:$0x3FA6]  }
0x3d: {  	_ =	shalt  }
0x3e: {  	_ =	shalt  }
0x3f: {  	_ =	shalt  }
0x40: {  	_ =	shalt  }
0x41: {  	_ =	shalt  }
0x42: {  	_ =	shalt  }
0x43: {  	_ =	shalt  }
0x44: {  	_ =	shalt  }
0x45: {  	_ =	shalt  }
0x46: {  	_ =	shalt  }
0x47: {  	_ =	shalt  }
0x48: {  	_ =	shalt  }
0x49: {  	_ =	shalt  }
0x4a: {  	_ =	shalt  }
0x4b: {  	_ =	shalt  }
0x4c: {  	_ =	shalt  }
0x4d: {  	_ =	shalt  }
0x4e: {  	_ =	shalt  }
0x4f: {  	_ =	shalt  }
0x50: {  	_ =	shalt  }
0x51: {  	_ =	shalt  }
0x52: {  	_ =	shalt  }
0x53: {  	_ =	shalt  }
0x54: {  	_ =	shalt  }
0x55: {  	_ =	shalt  }
0x56: {  	_ =	shalt  }
0x57: {  	_ =	shalt  }
0x58: {  	_ =	shalt  }
0x59: {  	_ =	shalt  }
0x5a: {  	_ =	shalt  }
0x5b: {  	_ =	shalt  }
0x5c: {  	_ =	shalt  }
0x5d: {  	_ =	shalt  }
0x5e: {  	_ =	shalt  }
0x5f: {  	_ =	shalt  }
0x60: {  	_ =	shalt  }
0x61: {  	_ =	shalt  }
0x62: {  	_ =	shalt  }
0x63: {  	_ =	shalt  }
0x64: {  	_ =	shalt  }
0x65: {  	_ =	shalt  }
0x66: {  	_ =	shalt  }
0x67: {  	_ =	shalt  }
0x68: {  	_ =	shalt  }
0x69: {  	_ =	shalt  }
0x6a: {  	_ =	shalt  }
0x6b: {  	_ =	shalt  }
0x6c: {  	_ =	shalt  }
0x6d: {  	_ =	shalt  }
0x6e: {  	_ =	shalt  }
0x6f: {  	_ =	shalt  }
0x70: {  	_ =	shalt  }
0x71: {  	_ =	shalt  }
0x72: {  	_ =	shalt  }
0x73: {  	_ =	shalt  }
0x74: {  	_ =	shalt  }
0x75: {  	_ =	shalt  }
0x76: {  	_ =	shalt  }
0x77: {  	_ =	shalt  }
0x78: {  	_ =	shalt  }
0x79: {  	_ =	shalt  }
0x7a: {  	_ =	shalt  }
0x7b: {  	_ =	shalt  }
0x7c: {  	_ =	shalt  }
0x7d: {  	_ =	shalt  }
0x7e: {  	_ =	shalt  }
0x7f: {  	_ =	shalt  }
0x80: {  	_ =	shalt  }
0x81: {  	_ =	shalt  }
0x82: {  	_ =	shalt  }
0x83: {  	_ =	shalt  }
0x84: {  	_ =	shalt  }
0x85: {  	_ =	shalt  }
0x86: {  	_ =	shalt  }
0x87: {  	_ =	shalt  }
.Lfunc_end0:
.L_simem_size_0:
called_computation_lowered:
.L_overlay_start_0:
0x88: {  	s2 =	sld [smem:$0x3FD9]  }
0x89: {  	s3 =	sld [smem:$0x3FFE];
	_ =	sdelay $0x1  }
0x8a: {  	s1 =	srdreg.scid  }
0x8b: {  	s0 =	sand.u32 $0x1, s1  }
0x8c: {  	s17 =	sshll.u32 s0, $0xA;
	s2 =	sadd.s32 s3, s2  }
0x8d: {  	s2 =	sadd.s32 s2, s17  }
0x8e: {  	[smem:$0x3FB2] =	sst s2  }
0x8f: {  	_ = 	snop  }
0x90: {  	s2 =	sld [smem:$0x3FD0];
	(tm) =	ssettm $0x1  }
0x91: {  	s18 =	sld [smem:$0x3FFB];
	_ =	sdelay $0x3  }
0x92: {  	_ =	strace s18  }
0x93: {  	s3 =	sld [smem:$0x3FFC];
	_ =	sdelay $0x3  }
0x94: {  	_ =	strace s3  }
0x95: {  	s3 =	sld [smem:$0x3FFD];
	_ =	sdelay $0x3  }
0x96: {  	_ =	strace s3  }
0x97: {  	_ =	strace $0x8FFFFFFF  }
0x98: {  	s19 =	sld [smem:$0x3FDB];
	_ =	sdelay $0x1  }
0x99: {  	s4 =	simm.s32 $_scs_section_size  }
0x9a: {  	s5 =	simm.s32 $_size__tile_overlayer_lowered;
	s6 =	simm.s32 $_tile_overlayer_lowered  }
0x9b: {  	s22 =	simm.s32 $0x1BFF;
	s21 =	sshll.u32 s6, $0x1;
	s3 =	sadd.s32 s4, s19  }
0x9c: {  	s7 =	simm.s32 $0x0;
	s20 =	sshll.u32 s5, $0x1;
	s5 =	sadd.s32 s21, s3  }
0x9d: {  	[timem:s7], [sflag:s22] =	dma.local [hbm:s5], s20  }
0x9e: {  	_ =	swait.ge [sflag:s22], s20  }
0x9f: {  	s4 =	ssub.s32 $0x0, s20;
	[sflag:s22] =	ssyncset.done $0x0  }
0xa0: {  	[sflag:s22] =	ssyncadd.s32 s4;
	_ =	sdelay $0x1  }
0xa1: {  	s23 =	simm.s32 $0x1B8B  }
0xa2: {  	_ =	swait.ge [sflag:s23], $0x1  }
0xa3: {  	[sflag:s23] =	ssyncset.done $0x0  }
0xa4: {  	s25 =	simm.s32 $0x1B8E;
	s24 =	sld [smem:$0x3FFE];
	[sflag:s23] =	ssyncadd.s32 $0xFFFFFFFF  }
0xa5: {  	s26 =	simm.s32 $execute0_lowered;
	[smem:$0x3FD2] =	sst s25  }
0xa6: {  	s5 =	sshll.u32 s26, $0x1;
	_ =	strace $0x80000046;
	[dreg:$0x1] =	wrdreg $0xFFFFFFFF  }
0xa7: {  	s28 =	simm.s32 $_size_execute0_lowered;
	s3 =	sadd.s32 s3, s5;
	[dreg:$0x0] =	wrdreg $0x0  }
0xa8: {  	s5 =	sshll.u32 s28, $0x1;
	[dreg:$0x2] =	wrdreg s3  }
0xa9: {  	[dreg:$0x3] =	wrdreg s5  }
0xaa: {  	[dreg:$0x4] =	wrdreg $0xC0  }
0xab: {  	_ =	task [dreg:s7], $0x5FFFF  }
0xac: {  	[dreg:$0x1] =	wrdreg $0xFFFFFFFF  }
0xad: {  	[dreg:$0x0] =	wrdreg $0x60  }
0xae: {  	[dreg:$0x2] =	wrdreg s24  }
0xaf: {  	[dreg:$0x3] =	wrdreg s2  }
0xb0: {  	[dreg:$0x4] =	wrdreg $0x9  }
0xb1: {  	_ =	task.clear_ibuf [dreg:s7], $0x5FFFF;
	_ =	strace $0x90000046  }
0xb2: {  	s29 =	simm.s32 $0x9;
	_ =	strace $0x80000048  }
0xb3: {  	_ =	swait.ge [sflag:s29], $0x1  }
0xb4: {  	[sflag:s29] =	ssyncadd.s32 $0xFFFFFFFF  }
0xb5: {  	_ =	strace $0x90000048  }
0xb6: {  	_ =	sfence  }
0xb7: {  	s30 =	sld [smem:$0x0];
	_ =	sdelay $0x2  }
0xb8: {  	s31 =	sshll.u32 s1, $0xD;
	s1 =	sshrl.u32 s1, $0x2  }
0xb9: {  	s3 =	sand.u32 $0x4000, s31;
	s1 =	sadd.s32 s1, s30  }
0xba: {  	s0 =	sor.u32 s3, s0;
	s1 =	sshll.u32 s1, $0x11  }
0xbb: {  	s0 =	sor.u32 s1, s0  }
0xbc: {  	s0 =	sadd.s32 $0x8F2B, s0  }
0xbd: {  	[sflag:s0] =	ssyncadd.remote.s32 $0x1  }
0xbe: {  	_ =	sfence.sel $0xFFFF  }
0xbf: {  	[dreg:$0x0] =	wrdreg $0xFFFFFFFF;
	(pc) =	sbr.abs _section_cstart, $3  }
0xc0: {  	[dreg:$0x1] =	wrdreg $0xFFFFFFFF  }
0xc1: {  	_ =	task.clear_ibuf [dreg:s7], $0x2FFFF;
	_ =	strace $0x9FFFFFFF  }
0xc2: {  	(tm) =	ssettm $0x7FFFFFFF  }
0xc3: {  	_ =	shalt  }
tec
execute0_lowered:
.L_overlay_start_1:
0x0: {  	(tag) =	ssettag $0x1  }
0x1: {  	s4 =	rddreg [dreg:$0x0]  }
0x2: {  	s6 =	rddreg [dreg:$0x1]  }
0x3: {  	s0 =	rddreg [dreg:$0x2];
	s2 =	simm.s32 $0x0;
	s1 =	stileid.u32  }
0x4: {  	s3 =	srdreg.scid;
	[smem:$0x7FF] =	sst s2  }
0x5: {  	s5 =	sshll.u32 s1, $0x12;
	s7 =	sand.u32 $0x1, s3;
	s3 =	sadd.s32 $0x44800, s4  }
0x6: {  	s9 =	sshll.u32 s1, $0xE;
	_ =	strace $0x80000047;
	s5 =	sadd.s32 s5, s4  }
0x7: {  	s29 =	ssub.s32 $0x2, s7;
	s10 =	sshll.u32 s7, $0xD;
	s7 =	sshll.u32 s7, $0x11  }
0x8: {  	s8 =	sshrl.u32 s29, $0x1;
	s30 =	sor.u32 s10, s9;
	s5 =	sadd.s32 s7, s5  }
0x9: {  	s7 =	simm.s32 $0x2;
	s9 =	simm.s32 $0x1;
	s10 =	simm.s32 $0x0  }
0xa: {  	s4 =	ssub.s32 s29, s8;
	s31 =	sshrl.u32 s30, $0x3;
	s5 =	sadd.s32 $0x85400, s5  }
0xb: {  	s8 =	simm.s32 $0x80;
	s4 =	smax.u32 s4, $0x1;
	s6 =	sadd.s32 s31, s6  }
.LBB2_1:
0xc: {  	s11 =	sadd.s32 $0x0, s6  }
0xd: {  	[tilespmem:s2], [sflag:$0x2] =	stream.linear.gather [hbm4b:s11+s2], $0x80, $0x38;
	[tilespmem:$0x4080] =	vst v63  }
0xe: {  	_ =	swait.ge [sflag:s7], $0x80  }
0xf: {  	[sflag:s7] =	ssyncset.done $0x0  }
0x10: {  	[sflag:s7] =	ssyncadd.s32 $0xFFFFFF80  }
0x11: {  	[tilespmem:s8], [sflag:$0x1] =	stream.indirect.gather [hbm4b:s3+s8], $0x80, s2, s8, $0xb8;
	[tilespmem:$0x4080] =	vst v63  }
0x12: {  	_ =	swait.ge [sflag:s9], $0x4000  }
0x13: {  	[sflag:s9] =	ssyncset.done $0x0  }
0x14: {  	[sflag:s9] =	ssyncadd.s32 $0xFFFFC000  }
0x15: {  	[hbm4b:s5+s2] =	stream.linear.scatter [tilespmem:s8], [sflag:$0x2], $0x4000, $0x38;
	[tilespmem:$0x4080] =	vst v63  }
0x16: {  	s12 =	simm.s32 $0x10;
	_ =	swait.ge [sflag:s7], $0x4000  }
0x17: {  	s13 =	simm.s32 $0x20;
	s11 =	sadd.s32 $0x800, s5;
	[sflag:s7] =	ssyncset.done $0x0  }
.LBB2_2:
0x18: {  	s14 =	sadd.s32 s12, s6  }
0x19: {  	[sflag:s7] =	ssyncadd.s32 $0xFFFFC000;
	s12 =	smov.u32 s13;
	s15 =	sadd.s32 $0x10, s13  }
0x1a: {  	[tilespmem:s2], [sflag:$0x2] =	stream.linear.gather [hbm4b:s14+s2], $0x80, $0x38;
	[tilespmem:$0x4080] =	vst v63  }
0x1b: {  	p0 =	sne.s32 s13, $0x3F0;
	_ =	swait.ge [sflag:s7], $0x80  }
0x1c: {  	[sflag:s7] =	ssyncset.done $0x0  }
0x1d: {  	[sflag:s7] =	ssyncadd.s32 $0xFFFFFF80  }
0x1e: {  	[tilespmem:s8], [sflag:$0x1] =	stream.indirect.gather [hbm4b:s3+s8], $0x80, s2, s8, $0xb8;
	[tilespmem:$0x4080] =	vst v63  }
0x1f: {  	_ =	swait.ge [sflag:s9], $0x4000  }
.Ltmp0:
0x20: {  	[sflag:s9] =	ssyncset.done $0x0;
	(pc) =	sbr.rel @p0 .LBB2_2-.Ltmp0, $4  }
0x21: {  	[sflag:s9] =	ssyncadd.s32 $0xFFFFC000  }
0x22: {  	[hbm4b:s11+s2] =	stream.linear.scatter [tilespmem:s8], [sflag:$0x2], $0x4000, $0x38;
	[tilespmem:$0x4080] =	vst v63  }
0x23: {  	_ =	swait.ge [sflag:s7], $0x4000  }
0x24: {  	s13 =	smov.u32 s15;
	s11 =	sadd.s32 $0x800, s11;
	[sflag:s7] =	ssyncset.done $0x0  }
0x25: {  	s12 =	sadd.s32 s12, s6;
	[sflag:s7] =	ssyncadd.s32 $0xFFFFC000  }
0x26: {  	[tilespmem:s2], [sflag:$0x2] =	stream.linear.gather [hbm4b:s12+s2], $0x80, $0x38;
	[tilespmem:$0x4080] =	vst v63  }
0x27: {  	_ =	swait.ge [sflag:s7], $0x80  }
0x28: {  	[sflag:s7] =	ssyncset.done $0x0  }
0x29: {  	[sflag:s7] =	ssyncadd.s32 $0xFFFFFF80  }
0x2a: {  	[tilespmem:s8], [sflag:$0x1] =	stream.indirect.gather [hbm4b:s3+s8], $0x80, s2, s8, $0xb8;
	[tilespmem:$0x4080] =	vst v63  }
0x2b: {  	s10 =	sadd.s32 $0x1, s10;
	_ =	swait.ge [sflag:s9], $0x4000  }
0x2c: {  	p0 =	sne.s32 s10, s4;
	[sflag:s9] =	ssyncset.done $0x0  }
.Ltmp1:
0x2d: {  	[sflag:s9] =	ssyncadd.s32 $0xFFFFC000;
	(pc) =	sbr.rel @p0 .LBB2_1-.Ltmp1, $4  }
0x2e: {  	[hbm4b:s11+s2] =	stream.linear.scatter [tilespmem:s8], [sflag:$0x2], $0x4000, $0x38;
	[tilespmem:$0x4080] =	vst v63  }
0x2f: {  	_ =	swait.ge [sflag:s7], $0x4000  }
0x30: {  	[sflag:s7] =	ssyncset.done $0x0  }
0x31: {  	[sflag:s7] =	ssyncadd.s32 $0xFFFFC000  }
0x32: {  	_ =	sfence.sel $0x180000  }
0x33: {  	[bflag:$0x0] =	sbarrier.arrive $0xFFFF  }
0x34: {  	p0 =	sne.s32 s1, $0x0;
	_ =	strace $0x90000047  }
0x35: {  	s0 =	sadd.s32 @!p0 $0x100000, s0;
	[bflag:$0x2] =	sbarrier.arrive $0xFFFF  }
0x36: {  	[sflag:s0] =	ssyncadd.tile.s32 @!p0 $0x1;
	_ =	shalt  }
.Lfunc_end2:
_tile_overlayer_lowered:
.L_overlay_start_2:
0x37: {  	(tag) =	ssettag $0x2  }
0x38: {  	s0 =	rddreg [dreg:$0x0];
	s2 =	stileid.u32  }
0x39: {  	s1 =	rddreg [dreg:$0x1];
	p0 =	sne.s32 s2, $0x0  }
0x3a: {  	s3 =	rddreg [dreg:$0x2];
	[bflag:$0x3] =	sbarrier.arrive $0xFFFF;
	s2 =	simm.s32 @!p0 $0x1C02  }
0x3b: {  	[timem:s3], [sflag:s2] =	dma.local @!p0 [hbm:s0], s1  }
0x3c: {  	s0 =	simm.s32 @!p0 $0x2  }
0x3d: {  	_ =	swait.ge @!p0 [sflag:s0], s1  }
0x3e: {  	s1 =	ssub.s32 @!p0 $0x0, s1;
	[sflag:s0] =	ssyncset.done @!p0 $0x0  }
0x3f: {  	[sflag:s0] =	ssyncadd.s32 @!p0 s1  }
0x40: {  	[bflag:$0x3] =	sbarrier.arrive $0xFFFF  }
0x41: {  	_ =	shalt  }

</sc_bundles>
